<compile_context>
chip_gen: v7x
topology: tpu7x:2x2x1
jax: 0.10.2.dev20260603
libtpu: 0.0.44.dev20260713+nightly
codegen_flags: <defaults>
</compile_context>

<pallas_src>
import functools

import jax
import jax.numpy as jnp
from jax import lax
from jax.experimental import pallas as pl
from jax.experimental.pallas import tpu as pltpu
from jax.experimental.pallas import tpu_sc as plsc

EMBED = 256
BATCH_BLOCK = 32
NUM_WORKERS = 32


def _eye_body(eye_ref):
    n, e = eye_ref.shape
    i = lax.broadcasted_iota(jnp.int32, (n, e), 0)
    j = lax.broadcasted_iota(jnp.int32, (n, e), 1)
    eye_ref[...] = (i == j).astype(jnp.float32)


def _row_fill_copy_body(cm_ref, row_ref, cm_out_ref, sem):
    row_ref[...] = jnp.zeros(row_ref.shape, jnp.float32)
    i = pl.program_id(0)
    sl = pl.ds(i * BATCH_BLOCK, BATCH_BLOCK)
    cp = pltpu.make_async_copy(cm_ref.at[sl], cm_out_ref.at[sl], sem)
    cp.start()
    cp.wait()


def _make_sc_col_fill(b, c):
    bpw = b // NUM_WORKERS
    mesh = plsc.VectorSubcoreMesh(core_axis_name="c", subcore_axis_name="s")

    @functools.partial(
        pl.kernel,
        out_type=jax.ShapeDtypeStruct((b, c, EMBED), jnp.float32),
        mesh=mesh,
        scratch_types=[
            pltpu.VMEM((c, EMBED), jnp.float32),
            pltpu.SemaphoreType.DMA,
        ],
    )
    def _sc_col_fill(eye_hbm, out_hbm, pattern_v, sem):
        pltpu.sync_copy(eye_hbm, pattern_v)
        wid = lax.axis_index("s") * 2 + lax.axis_index("c")
        base = wid * bpw

        def fire(i, carry):
            pltpu.make_async_copy(pattern_v, out_hbm.at[base + i], sem).start()
            return carry

        def drain(i, carry):
            pltpu.make_async_copy(pattern_v, out_hbm.at[base], sem).wait()
            return carry

        lax.fori_loop(0, bpw, fire, 0)
        lax.fori_loop(0, bpw, drain, 0)

    return _sc_col_fill


def kernel(cost_matrix):
    b, r, c = cost_matrix.shape
    eye = pl.pallas_call(
        _eye_body,
        out_shape=jax.ShapeDtypeStruct((c, EMBED), cost_matrix.dtype),
    )()
    row_emb, cm_out = pl.pallas_call(
        _row_fill_copy_body,
        grid=(b // BATCH_BLOCK,),
        in_specs=[pl.BlockSpec(memory_space=pl.ANY)],
        out_specs=[
            pl.BlockSpec((BATCH_BLOCK, r, EMBED), lambda i: (i, 0, 0)),
            pl.BlockSpec(memory_space=pl.ANY),
        ],
        out_shape=[
            jax.ShapeDtypeStruct((b, r, EMBED), cost_matrix.dtype),
            jax.ShapeDtypeStruct((b, r, c), cost_matrix.dtype),
        ],
        scratch_shapes=[pltpu.SemaphoreType.DMA],
    )(cost_matrix)
    col_emb = _make_sc_col_fill(b, c)(eye)
    return (row_emb, col_emb, cm_out)

# --- scband reference (transcript-rebuilt; emitter-appended) ---
"""Pipeline reference for scband-deterministic-one-hot-mat-net-init-embedding-9216999817808 (READ-ONLY COPY).

The authoritative reference and input builder live on the scoring server;
editing this copy changes nothing except your own understanding.
"""

import jax, jax.numpy as jnp
import numpy as np

EMBED_DIM = 256

def setup_inputs(seed: int = 0) -> dict:
    key = jax.random.key(seed)
    cost_matrix = jax.random.normal(key, (1024, 200, 200), dtype=jnp.float32)
    return {"cost_matrix": cost_matrix}

def reference(cost_matrix):
    b, r, c = cost_matrix.shape
    # row_emb = zeros
    row_emb = jnp.zeros((b, r, EMBED_DIM), dtype=cost_matrix.dtype)
    # col_emb[b, j, j] = 1.0 (deterministic one-hot basis vectors)
    col_emb = jnp.zeros((b, c, EMBED_DIM), dtype=cost_matrix.dtype)
    j = jnp.arange(c)
    col_emb = col_emb.at[:, j, j].set(1.0)
    return (row_emb, col_emb, cost_matrix)

if __name__ == "__main__":
    import jax
    _d = setup_inputs()
    print(jax.jit(kernel)(*tuple(_d.values())))

</pallas_src>

<mosaic_0001>
#map = affine_map<(d0, d1) -> (0, 0)>
#map1 = affine_map<(d0, d1) -> (0, 0, 0)>
module attributes {stable_mosaic.version = 14 : i64} {
  func.func @_sc_col_fill(%arg0: i32, %arg1: i32, %arg2: memref<200x256xf32, #tpu.memory_space<hbm>>, %arg3: memref<1024x200x256xf32, #tpu.memory_space<hbm>>, %arg4: memref<200x256xf32, #tpu.memory_space<vmem>>, %arg5: memref<!tpu.dma_semaphore, #tpu.memory_space<semaphore_mem>>) attributes {dimension_semantics = [#tpu.dimension_semantics<core_parallel>, #tpu.dimension_semantics<subcore_parallel>], iteration_bounds = array<i64: 2, 16>, scalar_prefetch = 0 : i64, scratch_operands = 2 : i64, tpu.core_type = #tpu.core_type<sc_vector_subcore>, window_params = [{transform_indices = #map}, {transform_indices = #map1}]} {
    "tpu.region"() ({
      %run_scoped3A = tpu.sem_alloc : memref<!tpu.dma_semaphore, #tpu.memory_space<semaphore_mem>>
      tpu.enqueue_dma source(%arg2 : memref<200x256xf32, #tpu.memory_space<hbm>>) target(%arg4 : memref<200x256xf32, #tpu.memory_space<vmem>>) target_semaphore(%run_scoped3A : memref<!tpu.dma_semaphore, #tpu.memory_space<semaphore_mem>>)
      tpu.wait_dma2 semaphore(%run_scoped3A : memref<!tpu.dma_semaphore, #tpu.memory_space<semaphore_mem>>) src(%arg2 : memref<200x256xf32, #tpu.memory_space<hbm>>) dst(%arg4 : memref<200x256xf32, #tpu.memory_space<vmem>>)
      tpu.yield
    }) : () -> ()
    %mul3A = arith.constant 2 : i32
    %mul3A_0 = arith.muli %arg1, %mul3A : i32
    %add3A = arith.addi %mul3A_0, %arg0 : i32
    %mul3A_1 = arith.constant 32 : i32
    %mul3A_2 = arith.muli %add3A, %mul3A_1 : i32
    %scan3A = arith.constant 0 : i32
    %scan3A_3 = arith.constant 0 : i32
    %scan3A_4 = arith.constant 32 : i32
    %scan3A_5 = arith.addi %scan3A_3, %scan3A_4 : i32
    %scan3A_6 = arith.constant 1 : i32
    scf.for %scan3A_14 = %scan3A_3 to %scan3A_5 step %scan3A_6  : i32 {
      %add3A_15 = arith.addi %mul3A_2, %scan3A_14 : i32
      %dma_start3A = arith.constant 0 : i32
      %dma_start3A_16 = arith.constant 0 : i32
      %dma_start3A_17 = tpu.memref_slice %arg3[%add3A_15, %dma_start3A, %dma_start3A_16] : memref<1024x200x256xf32, #tpu.memory_space<hbm>> -> memref<1x200x256xf32, #tpu.memory_space<hbm>>
      %dma_start3A_18 = tpu.memref_squeeze %dma_start3A_17 : memref<1x200x256xf32, #tpu.memory_space<hbm>> -> memref<200x256xf32, #tpu.memory_space<hbm>>
      %dma_start3A_19 = arith.constant 0 : i32
      %dma_start3A_20 = arith.constant 0 : i32
      %dma_start3A_21 = tpu.memref_slice %arg3[%add3A_15, %dma_start3A_19, %dma_start3A_20] : memref<1024x200x256xf32, #tpu.memory_space<hbm>> -> memref<1x200x256xf32, #tpu.memory_space<hbm>>
      %dma_start3A_22 = tpu.memref_squeeze %dma_start3A_21 : memref<1x200x256xf32, #tpu.memory_space<hbm>> -> memref<200x256xf32, #tpu.memory_space<hbm>>
      tpu.enqueue_dma source(%arg4 : memref<200x256xf32, #tpu.memory_space<vmem>>) target(%dma_start3A_22 : memref<200x256xf32, #tpu.memory_space<hbm>>) target_semaphore(%arg5 : memref<!tpu.dma_semaphore, #tpu.memory_space<semaphore_mem>>)
    }
    %scan3A_7 = arith.constant 32 : i32
    %scan3A_8 = arith.constant 0 : i32
    %scan3A_9 = arith.constant 0 : i32
    %scan3A_10 = arith.constant 32 : i32
    %scan3A_11 = arith.addi %scan3A_9, %scan3A_10 : i32
    %scan3A_12 = arith.constant 1 : i32
    scf.for %scan3A_14 = %scan3A_9 to %scan3A_11 step %scan3A_12  : i32 {
      %dma_wait3A = arith.constant 0 : i32
      %dma_wait3A_15 = arith.constant 0 : i32
      %dma_wait3A_16 = tpu.memref_slice %arg3[%mul3A_2, %dma_wait3A, %dma_wait3A_15] : memref<1024x200x256xf32, #tpu.memory_space<hbm>> -> memref<1x200x256xf32, #tpu.memory_space<hbm>>
      %dma_wait3A_17 = tpu.memref_squeeze %dma_wait3A_16 : memref<1x200x256xf32, #tpu.memory_space<hbm>> -> memref<200x256xf32, #tpu.memory_space<hbm>>
      %dma_wait3A_18 = arith.constant 0 : i32
      %dma_wait3A_19 = arith.constant 0 : i32
      %dma_wait3A_20 = tpu.memref_slice %arg3[%mul3A_2, %dma_wait3A_18, %dma_wait3A_19] : memref<1024x200x256xf32, #tpu.memory_space<hbm>> -> memref<1x200x256xf32, #tpu.memory_space<hbm>>
      %dma_wait3A_21 = tpu.memref_squeeze %dma_wait3A_20 : memref<1x200x256xf32, #tpu.memory_space<hbm>> -> memref<200x256xf32, #tpu.memory_space<hbm>>
      tpu.wait_dma2 semaphore(%arg5 : memref<!tpu.dma_semaphore, #tpu.memory_space<semaphore_mem>>) src(%arg4 : memref<200x256xf32, #tpu.memory_space<vmem>>) dst(%dma_wait3A_21 : memref<200x256xf32, #tpu.memory_space<hbm>>)
    }
    %scan3A_13 = arith.constant 32 : i32
    return
  }
}

module attributes {stable_mosaic.version = 14 : i64} {
  func.func @_row_fill_copy_body(%arg0: i32, %arg1: memref<1024x200x200xf32, #tpu.memory_space<any>>, %arg2: memref<32x200x256xf32, #tpu.memory_space<vmem>>, %arg3: memref<1024x200x200xf32, #tpu.memory_space<any>>, %arg4: memref<!tpu.dma_semaphore, #tpu.memory_space<semaphore_mem>>) attributes {dimension_semantics = [#tpu.dimension_semantics<arbitrary>], iteration_bounds = array<i64: 32>, scalar_prefetch = 0 : i64, scratch_operands = 1 : i64, tpu.core_type = #tpu.core_type<tc>, window_params = [{}, {transform_indices = @transform_1, window_bounds = array<i64: 32, 200, 256>}, {}]} {
    %broadcast_in_dim3A = arith.constant 0.000000e+00 : f32
    %broadcast_in_dim3A_0 = vector.broadcast %broadcast_in_dim3A : f32 to vector<32x200x256xf32>
    %swap3A = arith.constant 0 : index
    %swap3A_1 = arith.constant 0 : index
    %swap3A_2 = arith.constant 0 : index
    %swap3A_3 = vector.load %arg2[%swap3A, %swap3A_1, %swap3A_2] : memref<32x200x256xf32, #tpu.memory_space<vmem>>, vector<32x200x256xf32>
    tpu.vector_store %arg2[%swap3A, %swap3A_1, %swap3A_2], %broadcast_in_dim3A_0 {strides = array<i32>} : memref<32x200x256xf32, #tpu.memory_space<vmem>>, vector<32x200x256xf32>,
    %mul3A = arith.constant 32 : i32
    %mul3A_4 = arith.muli %arg0, %mul3A : i32
    %dma_start3A = arith.constant 0 : i32
    %dma_start3A_5 = arith.constant 0 : i32
    %dma_start3A_6 = tpu.memref_slice %arg3[%mul3A_4, %dma_start3A, %dma_start3A_5] : memref<1024x200x200xf32, #tpu.memory_space<any>> -> memref<32x200x200xf32, #tpu.memory_space<any>>
    %dma_start3A_7 = arith.constant 0 : i32
    %dma_start3A_8 = arith.constant 0 : i32
    %dma_start3A_9 = tpu.memref_slice %arg1[%mul3A_4, %dma_start3A_7, %dma_start3A_8] : memref<1024x200x200xf32, #tpu.memory_space<any>> -> memref<32x200x200xf32, #tpu.memory_space<any>>
    tpu.enqueue_dma source(%dma_start3A_9 : memref<32x200x200xf32, #tpu.memory_space<any>>) target(%dma_start3A_6 : memref<32x200x200xf32, #tpu.memory_space<any>>) target_semaphore(%arg4 : memref<!tpu.dma_semaphore, #tpu.memory_space<semaphore_mem>>)
    %dma_wait3A = arith.constant 0 : i32
    %dma_wait3A_10 = arith.constant 0 : i32
    %dma_wait3A_11 = tpu.memref_slice %arg3[%mul3A_4, %dma_wait3A, %dma_wait3A_10] : memref<1024x200x200xf32, #tpu.memory_space<any>> -> memref<32x200x200xf32, #tpu.memory_space<any>>
    %dma_wait3A_12 = arith.constant 0 : i32
    %dma_wait3A_13 = arith.constant 0 : i32
    %dma_wait3A_14 = tpu.memref_slice %arg1[%mul3A_4, %dma_wait3A_12, %dma_wait3A_13] : memref<1024x200x200xf32, #tpu.memory_space<any>> -> memref<32x200x200xf32, #tpu.memory_space<any>>
    tpu.wait_dma2 semaphore(%arg4 : memref<!tpu.dma_semaphore, #tpu.memory_space<semaphore_mem>>) src(%dma_wait3A_14 : memref<32x200x200xf32, #tpu.memory_space<any>>) dst(%dma_wait3A_11 : memref<32x200x200xf32, #tpu.memory_space<any>>)
    return
  }
  func.func @transform_1(%arg0: i32) -> (i32, i32, i32) {
    %c0_i32 = arith.constant 0 : i32
    %c0_i32_0 = arith.constant 0 : i32
    %c0_i32_1 = arith.constant 0 : i32
    return %arg0, %c0_i32, %c0_i32_0 : i32, i32, i32
  }
}

module attributes {stable_mosaic.version = 14 : i64} {
  func.func @_eye_body(%arg0: memref<200x256xf32, #tpu.memory_space<vmem>>) attributes {dimension_semantics = [], scalar_prefetch = 0 : i64, scratch_operands = 0 : i64, tpu.core_type = #tpu.core_type<tc>} {
    %iota3A = tpu.iota {dimensions = array<i32: 0>} : vector<200x256xi32>
    %iota3A_0 = tpu.iota {dimensions = array<i32: 1>} : vector<200x256xi32>
    %eq3A = arith.cmpi eq, %iota3A, %iota3A_0 : vector<200x256xi32>
    %convert_element_type3A = arith.extui %eq3A : vector<200x256xi1> to vector<200x256xi32>
    %convert_element_type3A_1 = arith.sitofp %convert_element_type3A : vector<200x256xi32> to vector<200x256xf32>
    %swap3A = arith.constant 0 : index
    %swap3A_2 = arith.constant 0 : index
    %swap3A_3 = vector.load %arg0[%swap3A, %swap3A_2] : memref<200x256xf32, #tpu.memory_space<vmem>>, vector<200x256xf32>
    tpu.vector_store %arg0[%swap3A, %swap3A_2], %convert_element_type3A_1 {strides = array<i32>} : memref<200x256xf32, #tpu.memory_space<vmem>>, vector<200x256xf32>,
    return
  }
}

</mosaic_0001>

<sc_bundles>
// kernel: kernel.5.cloned.1.call-start
scs
__scs_entry_jumppad:
0x0: {  	(pc) =	sbr.rel $0x88, $3  }
0x1: {  	(tag) =	ssettag $0x0;
	lr =	simm.s32 $0x1  }
0x2: {  	[smem:$0x3FA0] =	sst lr;
	_ =	strace $0xD0000000  }
0x3: {  	_ = 	snop  }
0x4: {  	_ = 	snop  }
0x5: {  	_ = 	snop  }
0x6: {  	_ = 	snop  }
0x7: {  	_ = 	snop  }
__scs_overlays_trampoline_lowered:
0x8: {  	[smem:$0x3FAF] =	sst s0  }
0x9: {  	[smem:$0x3FB0] =	sst s1  }
0xa: {  	[smem:$0x3FB1] =	sst s2  }
0xb: {  	[smem:$0x3FB2] =	sst s3  }
0xc: {  	[smem:$0x3FB3] =	sst s4  }
0xd: {  	[smem:$0x3FB4] =	sst s5  }
0xe: {  	[smem:$0x3FB5] =	sst s6  }
0xf: {  	[smem:$0x3FB6] =	sst s7  }
0x10: {  	[smem:$0x3FB7] =	sst s8  }
0x11: {  	[smem:$0x3FB8] =	sst s9;
	s0 =	simm.s32 @!p0 $0x0  }
0x12: {  	s1 =	sld [smem:$0x3F9E];
	s0 =	simm.s32 @p0 $0x1  }
0x13: {  	[smem:$0x3FB9] =	sst s0;
	s0 =	simm.s32 @!p1 $0x0  }
0x14: {  	s2 =	sld [smem:$0x3F9D];
	s0 =	simm.s32 @p1 $0x1  }
0x15: {  	[smem:$0x3FBA] =	sst s0;
	s0 =	simm.s32 @!p2 $0x0  }
0x16: {  	s3 =	sld [smem:$0x3FDB];
	s0 =	simm.s32 @p2 $0x1  }
0x17: {  	s4 =	simm.s32 $0x1BF5;
	[smem:$0x3FBC] =	sst s0  }
0x18: {  	s0 =	sld [smem:$0x3F9F];
	_ =	swait.ge [sflag:s4], $0x0  }
0x19: {  	s7 =	sld [smem:$0x3FA0]  }
0x1a: {  	s8 =	sadd.s32 $0xFFFFE003, lr  }
0x1b: {  	s9 =	sadd.s32 $0xFFFFFEF7, lr;
	s5 =	simm.s32 $0xFFFFFFFF;
	p2 =	slt.u32 s8, $0xFFFFF086  }
0x1c: {  	p1 =	slt.u32 s9, $0xF7A;
	s5 =	simm.s32 @!p2 $0x0  }
0x1d: {  	s5 =	simm.s32 @p1 $0x1;
	p0 =	seq.s32 s7, s2  }
0x1e: {  	s7 =	smul.u32 @!p0 $0xF7A, s2;
	p2 =	seq.s32 @!p0 s5, $0x0  }
0x1f: {  	s9 =	smul.u32 $0xF7A, s1;
	s8 =	simm.s32 @!p0 $0x1BF5;
	p2 =	por !p2, p0  }
0x20: {  	[sflag:s8] =	ssyncset.s32 @!p0 $0xFFFFF086;
	s6 =	sadd.s32 @!p0 s3, s7;
	s7 =	simm.s32 @!p0 $0x108  }
0x21: {  	s3 =	sadd.s32 s3, s9;
	s6 =	sadd.s32 @!p0 $0x88, s6;
	s7 =	simm.s32 @p2 $0x1082  }
0x22: {  	[simem:s7], [sflag:s8] =	dma.local @!p0 [hbm:s6], $0xF7A  }
0x23: {  	s9 =	sor.u32 $0xD0000000, s2;
	s6 =	simm.s32 $0x108;
	_ =	swait.ge @!p0 [sflag:s8], $0x0  }
0x24: {  	s3 =	sadd.s32 $0x88, s3;
	s6 =	simm.s32 @!p1 $0x1082;
	[sflag:s4] =	ssyncset.s32 $0xFFFFF086  }
0x25: {  	[simem:s6], [sflag:s4] =	dma.local [hbm:s3], $0xF7A  }
0x26: {  	[smem:$0x3FA0] =	sst s1;
	(tag) =	ssettag s2;
	_ =	strace s9  }
0x27: {  	s1 =	sld [smem:$0x3FB0]  }
0x28: {  	s2 =	sld [smem:$0x3FB1]  }
0x29: {  	s4 =	sld [smem:$0x3FB3]  }
0x2a: {  	p0 =	seq.s32 s5, $0x0;
	s5 =	sld [smem:$0x3FB4]  }
0x2b: {  	s6 =	sld [smem:$0x3FB5]  }
0x2c: {  	s7 =	sld [smem:$0x3FB6]  }
0x2d: {  	s3 =	simm.s32 $0x108;
	s8 =	sld [smem:$0x3FB7]  }
0x2e: {  	s3 =	simm.s32 @!p0 $0x1082;
	s9 =	sld [smem:$0x3FB8]  }
0x2f: {  	lr =	sadd.s32 s0, s3;
	s0 =	sld [smem:$0x3FAF]  }
0x30: {  	s3 =	sld [smem:$0x3FB2]  }
0x31: {  	[smem:$0x3FBB] =	sst s10  }
0x32: {  	s10 =	sld [smem:$0x3FB9];
	_ =	sdelay $0x3  }
0x33: {  	p0 =	seq.s32 s10, $0x1;
	s10 =	sld [smem:$0x3FBB];
	_ =	sdelay $0x3  }
0x34: {  	[smem:$0x3FBB] =	sst s10  }
0x35: {  	s10 =	sld [smem:$0x3FBA];
	_ =	sdelay $0x3  }
0x36: {  	p1 =	seq.s32 s10, $0x1;
	s10 =	sld [smem:$0x3FBB];
	_ =	sdelay $0x3  }
0x37: {  	[smem:$0x3FBB] =	sst s10  }
0x38: {  	s10 =	sld [smem:$0x3FBC]  }
0x39: {  	_ = 	snop;
	(pc) =	sbr.ind lr, $3  }
0x3a: {  	_ = 	snop  }
0x3b: {  	_ = 	snop  }
0x3c: {  	p2 =	seq.s32 s10, $0x1;
	s10 =	sld [smem:$0x3FBB]  }
0x3d: {  	_ =	shalt  }
0x3e: {  	_ =	shalt  }
0x3f: {  	_ =	shalt  }
0x40: {  	_ =	shalt  }
0x41: {  	_ =	shalt  }
0x42: {  	_ =	shalt  }
0x43: {  	_ =	shalt  }
0x44: {  	_ =	shalt  }
0x45: {  	_ =	shalt  }
0x46: {  	_ =	shalt  }
0x47: {  	_ =	shalt  }
0x48: {  	_ =	shalt  }
0x49: {  	_ =	shalt  }
0x4a: {  	_ =	shalt  }
0x4b: {  	_ =	shalt  }
0x4c: {  	_ =	shalt  }
0x4d: {  	_ =	shalt  }
0x4e: {  	_ =	shalt  }
0x4f: {  	_ =	shalt  }
0x50: {  	_ =	shalt  }
0x51: {  	_ =	shalt  }
0x52: {  	_ =	shalt  }
0x53: {  	_ =	shalt  }
0x54: {  	_ =	shalt  }
0x55: {  	_ =	shalt  }
0x56: {  	_ =	shalt  }
0x57: {  	_ =	shalt  }
0x58: {  	_ =	shalt  }
0x59: {  	_ =	shalt  }
0x5a: {  	_ =	shalt  }
0x5b: {  	_ =	shalt  }
0x5c: {  	_ =	shalt  }
0x5d: {  	_ =	shalt  }
0x5e: {  	_ =	shalt  }
0x5f: {  	_ =	shalt  }
0x60: {  	_ =	shalt  }
0x61: {  	_ =	shalt  }
0x62: {  	_ =	shalt  }
0x63: {  	_ =	shalt  }
0x64: {  	_ =	shalt  }
0x65: {  	_ =	shalt  }
0x66: {  	_ =	shalt  }
0x67: {  	_ =	shalt  }
0x68: {  	_ =	shalt  }
0x69: {  	_ =	shalt  }
0x6a: {  	_ =	shalt  }
0x6b: {  	_ =	shalt  }
0x6c: {  	_ =	shalt  }
0x6d: {  	_ =	shalt  }
0x6e: {  	_ =	shalt  }
0x6f: {  	_ =	shalt  }
0x70: {  	_ =	shalt  }
0x71: {  	_ =	shalt  }
0x72: {  	_ =	shalt  }
0x73: {  	_ =	shalt  }
0x74: {  	_ =	shalt  }
0x75: {  	_ =	shalt  }
0x76: {  	_ =	shalt  }
0x77: {  	_ =	shalt  }
0x78: {  	_ =	shalt  }
0x79: {  	_ =	shalt  }
0x7a: {  	_ =	shalt  }
0x7b: {  	_ =	shalt  }
0x7c: {  	_ =	shalt  }
0x7d: {  	_ =	shalt  }
0x7e: {  	_ =	shalt  }
0x7f: {  	_ =	shalt  }
0x80: {  	_ =	shalt  }
0x81: {  	_ =	shalt  }
0x82: {  	_ =	shalt  }
0x83: {  	_ =	shalt  }
0x84: {  	_ =	shalt  }
0x85: {  	_ =	shalt  }
0x86: {  	_ =	shalt  }
0x87: {  	_ =	shalt  }
.Lfunc_end0:
.L_simem_size_0:
called_computation_lowered:
.L_overlay_start_0:
0x88: {  	s2 =	sld [smem:$0x3FD9]  }
0x89: {  	s3 =	sld [smem:$0x3FFE];
	_ =	sdelay $0x1  }
0x8a: {  	s1 =	srdreg.scid  }
0x8b: {  	s0 =	sand.u32 $0x1, s1  }
0x8c: {  	s14 =	sshll.u32 s0, $0xA;
	s2 =	sadd.s32 s3, s2  }
0x8d: {  	s2 =	sadd.s32 s2, s14  }
0x8e: {  	[smem:$0x3FC7] =	sst s2  }
0x8f: {  	_ = 	snop  }
0x90: {  	s2 =	sld [smem:$0x3FD0];
	_ =	sdelay $0x2  }
0x91: {  	s15 =	simm.s32 $0xA;
	s4 =	simm.s32 $0x10  }
0x92: {  	[smem:s4], [sflag:s15] =	dma.local [hbm:s2], $0x1  }
0x93: {  	_ =	swait.eq [sflag:s15], $0x1  }
0x94: {  	[sflag:s15] =	ssyncset.done $0x0  }
0x95: {  	[sflag:s15] =	ssyncadd.s32 $0xFFFFFFFF  }
0x96: {  	s16 =	sld [smem:$0x11];
	(tm) =	ssettm $0x1  }
0x97: {  	s17 =	sld [smem:$0x3FFB];
	_ =	sdelay $0x3  }
0x98: {  	_ =	strace s17  }
0x99: {  	s3 =	sld [smem:$0x3FFC];
	_ =	sdelay $0x3  }
0x9a: {  	_ =	strace s3  }
0x9b: {  	s3 =	sld [smem:$0x3FFD];
	_ =	sdelay $0x3  }
0x9c: {  	_ =	strace s3  }
0x9d: {  	_ =	strace $0x8FFFFFFF  }
0x9e: {  	s18 =	sld [smem:$0x3FDB];
	_ =	sdelay $0x1  }
0x9f: {  	s19 =	simm.s32 $_scs_section_size  }
0xa0: {  	s5 =	simm.s32 $_size__tile_overlayer_lowered;
	s6 =	simm.s32 $_tile_overlayer_lowered  }
0xa1: {  	s22 =	simm.s32 $0x1BFF;
	s21 =	sshll.u32 s6, $0x1;
	s3 =	sadd.s32 s19, s18  }
0xa2: {  	s7 =	simm.s32 $0x0;
	s20 =	sshll.u32 s5, $0x1;
	s5 =	sadd.s32 s21, s3  }
0xa3: {  	[timem:s7], [sflag:s22] =	dma.local [hbm:s5], s20  }
0xa4: {  	_ =	swait.ge [sflag:s22], s20  }
0xa5: {  	s4 =	ssub.s32 $0x0, s20;
	[sflag:s22] =	ssyncset.done $0x0  }
0xa6: {  	[sflag:s22] =	ssyncadd.s32 s4;
	_ =	sdelay $0x1  }
0xa7: {  	s23 =	simm.s32 $0x1B8B  }
0xa8: {  	_ =	swait.ge [sflag:s23], $0x1  }
0xa9: {  	[sflag:s23] =	ssyncset.done $0x0  }
0xaa: {  	s25 =	simm.s32 $0x1B8E;
	s24 =	sld [smem:$0x3FFE];
	[sflag:s23] =	ssyncadd.s32 $0xFFFFFFFF  }
0xab: {  	s26 =	simm.s32 $execute0_lowered;
	[smem:$0x3FD2] =	sst s25  }
0xac: {  	s5 =	sshll.u32 s26, $0x1;
	_ =	strace $0x80000046;
	[dreg:$0x1] =	wrdreg $0xFFFFFFFF  }
0xad: {  	s28 =	simm.s32 $_size_execute0_lowered;
	s3 =	sadd.s32 s3, s5;
	[dreg:$0x0] =	wrdreg $0x0  }
0xae: {  	s5 =	sshll.u32 s28, $0x1;
	[dreg:$0x2] =	wrdreg s3  }
0xaf: {  	[dreg:$0x3] =	wrdreg s5  }
0xb0: {  	[dreg:$0x4] =	wrdreg $0xC0  }
0xb1: {  	_ =	task [dreg:s7], $0x5FFFF  }
0xb2: {  	[dreg:$0x1] =	wrdreg $0xFFFFFFFF  }
0xb3: {  	[dreg:$0x0] =	wrdreg $0x60  }
0xb4: {  	[dreg:$0x2] =	wrdreg s24  }
0xb5: {  	[dreg:$0x3] =	wrdreg s16  }
0xb6: {  	[dreg:$0x4] =	wrdreg $0x9  }
0xb7: {  	_ =	task.clear_ibuf [dreg:s7], $0x5FFFF;
	_ =	strace $0x90000046  }
0xb8: {  	s29 =	simm.s32 $0x9;
	_ =	strace $0x80000048  }
0xb9: {  	_ =	swait.ge [sflag:s29], $0x1  }
0xba: {  	[sflag:s29] =	ssyncadd.s32 $0xFFFFFFFF  }
0xbb: {  	_ =	strace $0x90000048  }
0xbc: {  	_ =	sfence  }
0xbd: {  	s30 =	sld [smem:$0x0];
	_ =	sdelay $0x2  }
0xbe: {  	s31 =	sshll.u32 s1, $0xD;
	s1 =	sshrl.u32 s1, $0x2  }
0xbf: {  	s3 =	sand.u32 $0x4000, s31;
	s1 =	sadd.s32 s1, s30  }
0xc0: {  	s0 =	sor.u32 s3, s0;
	s1 =	sshll.u32 s1, $0x11  }
0xc1: {  	s0 =	sor.u32 s1, s0  }
0xc2: {  	s0 =	sadd.s32 $0x8F2B, s0  }
0xc3: {  	[sflag:s0] =	ssyncadd.remote.s32 $0x1  }
0xc4: {  	_ =	sfence.sel $0xFFFF  }
0xc5: {  	[dreg:$0x0] =	wrdreg $0xFFFFFFFF;
	(pc) =	sbr.abs _section_cstart, $3  }
0xc6: {  	[dreg:$0x1] =	wrdreg $0xFFFFFFFF  }
0xc7: {  	_ =	task.clear_ibuf [dreg:s7], $0x2FFFF;
	_ =	strace $0x9FFFFFFF  }
0xc8: {  	(tm) =	ssettm $0x7FFFFFFF  }
0xc9: {  	_ =	shalt  }
tec
execute0_lowered:
.L_overlay_start_1:
0x0: {  	(tag) =	ssettag $0x1  }
0x1: {  	s3 =	rddreg [dreg:$0x0]  }
0x2: {  	s4 =	rddreg [dreg:$0x1];
	s2 =	srdreg.scid  }
0x3: {  	s0 =	rddreg [dreg:$0x2];
	s1 =	stileid.u32;
	s5 =	sand.u32 $0x1, s2  }
0x4: {  	s2 =	simm.s32 $0x0;
	s7 =	smul.u32 $0x64000, s1;
	s3 =	sadd.s32 $0x800, s3  }
0x5: {  	s6 =	ssub.s32 $0x2, s5;
	[smem:$0x7FF] =	sst s2;
	s5 =	smul.u32 $0x32000, s5  }
0x6: {  	s8 =	sshrl.u32 s6, $0x1;
	_ =	strace $0x80000047;
	s7 =	sadd.s32 s7, s4  }
0x7: {  	s6 =	ssub.s32 s6, s8;
	s5 =	sadd.s32 s5, s7;
	s7 =	simm.s32 $0x1  }
0x8: {  	s8 =	simm.s32 $0x0;
	s4 =	smax.u32 s6, $0x1;
	s6 =	simm.s32 $0x2  }
.LBB2_1:
0x9: {  	[tilespmem:s2], [sflag:$0x2] =	stream.linear.gather [hbm4b:s3+s2], $0xC800, $0x38;
	[tilespmem:$0xC800] =	vst v63  }
0xa: {  	_ =	swait.ge [sflag:s6], $0xC800  }
0xb: {  	[sflag:s6] =	ssyncset.done $0x0  }
0xc: {  	s9 =	simm.s32 $0x1900;
	s10 =	sadd.s32 $0x0, s5;
	[sflag:s6] =	ssyncadd.s32 $0xFFFF3800  }
.LBB2_2:
0xd: {  	[hbm4b:s10+s2] =	stream.linear.scatter [tilespmem:s2], [sflag:$0x1], $0xC800, $0x38;
	[tilespmem:$0xC800] =	vst v63  }
0xe: {  	s10 =	smov.u32 s9;
	p0 =	sne.s32 s9, $0x30700  }
.Ltmp0:
0xf: {  	s9 =	sadd.s32 $0x1900, s9;
	(pc) =	sbr.rel @p0 .LBB2_2-.Ltmp0, $2  }
0x10: {  	_ =	sdelay $0x2  }
0x11: {  	s10 =	sadd.s32 s10, s5  }
0x12: {  	[hbm4b:s10+s2] =	stream.linear.scatter [tilespmem:s2], [sflag:$0x1], $0xC800, $0x38;
	[tilespmem:$0xC800] =	vst v63  }
0x13: {  	_ =	swait.ge [sflag:s7], $0xC800  }
0x14: {  	[sflag:s7] =	ssyncset.done $0x0  }
0x15: {  	[sflag:s7] =	ssyncadd.s32 $0xFFFF3800  }
0x16: {  	_ =	swait.ge [sflag:s7], $0xC800  }
0x17: {  	[sflag:s7] =	ssyncset.done $0x0  }
0x18: {  	[sflag:s7] =	ssyncadd.s32 $0xFFFF3800  }
0x19: {  	_ =	swait.ge [sflag:s7], $0xC800  }
0x1a: {  	[sflag:s7] =	ssyncset.done $0x0  }
0x1b: {  	[sflag:s7] =	ssyncadd.s32 $0xFFFF3800  }
0x1c: {  	_ =	swait.ge [sflag:s7], $0xC800  }
0x1d: {  	[sflag:s7] =	ssyncset.done $0x0  }
0x1e: {  	[sflag:s7] =	ssyncadd.s32 $0xFFFF3800  }
0x1f: {  	_ =	swait.ge [sflag:s7], $0xC800  }
0x20: {  	[sflag:s7] =	ssyncset.done $0x0  }
0x21: {  	[sflag:s7] =	ssyncadd.s32 $0xFFFF3800  }
0x22: {  	_ =	swait.ge [sflag:s7], $0xC800  }
0x23: {  	[sflag:s7] =	ssyncset.done $0x0  }
0x24: {  	[sflag:s7] =	ssyncadd.s32 $0xFFFF3800  }
0x25: {  	_ =	swait.ge [sflag:s7], $0xC800  }
0x26: {  	[sflag:s7] =	ssyncset.done $0x0  }
0x27: {  	[sflag:s7] =	ssyncadd.s32 $0xFFFF3800  }
0x28: {  	_ =	swait.ge [sflag:s7], $0xC800  }
0x29: {  	[sflag:s7] =	ssyncset.done $0x0  }
0x2a: {  	[sflag:s7] =	ssyncadd.s32 $0xFFFF3800  }
0x2b: {  	_ =	swait.ge [sflag:s7], $0xC800  }
0x2c: {  	[sflag:s7] =	ssyncset.done $0x0  }
0x2d: {  	[sflag:s7] =	ssyncadd.s32 $0xFFFF3800  }
0x2e: {  	_ =	swait.ge [sflag:s7], $0xC800  }
0x2f: {  	[sflag:s7] =	ssyncset.done $0x0  }
0x30: {  	[sflag:s7] =	ssyncadd.s32 $0xFFFF3800  }
0x31: {  	_ =	swait.ge [sflag:s7], $0xC800  }
0x32: {  	[sflag:s7] =	ssyncset.done $0x0  }
0x33: {  	[sflag:s7] =	ssyncadd.s32 $0xFFFF3800  }
0x34: {  	_ =	swait.ge [sflag:s7], $0xC800  }
0x35: {  	[sflag:s7] =	ssyncset.done $0x0  }
0x36: {  	[sflag:s7] =	ssyncadd.s32 $0xFFFF3800  }
0x37: {  	_ =	swait.ge [sflag:s7], $0xC800  }
0x38: {  	[sflag:s7] =	ssyncset.done $0x0  }
0x39: {  	[sflag:s7] =	ssyncadd.s32 $0xFFFF3800  }
0x3a: {  	_ =	swait.ge [sflag:s7], $0xC800  }
0x3b: {  	[sflag:s7] =	ssyncset.done $0x0  }
0x3c: {  	[sflag:s7] =	ssyncadd.s32 $0xFFFF3800  }
0x3d: {  	_ =	swait.ge [sflag:s7], $0xC800  }
0x3e: {  	[sflag:s7] =	ssyncset.done $0x0  }
0x3f: {  	[sflag:s7] =	ssyncadd.s32 $0xFFFF3800  }
0x40: {  	_ =	swait.ge [sflag:s7], $0xC800  }
0x41: {  	[sflag:s7] =	ssyncset.done $0x0  }
0x42: {  	[sflag:s7] =	ssyncadd.s32 $0xFFFF3800  }
0x43: {  	_ =	swait.ge [sflag:s7], $0xC800  }
0x44: {  	[sflag:s7] =	ssyncset.done $0x0  }
0x45: {  	[sflag:s7] =	ssyncadd.s32 $0xFFFF3800  }
0x46: {  	_ =	swait.ge [sflag:s7], $0xC800  }
0x47: {  	[sflag:s7] =	ssyncset.done $0x0  }
0x48: {  	[sflag:s7] =	ssyncadd.s32 $0xFFFF3800  }
0x49: {  	_ =	swait.ge [sflag:s7], $0xC800  }
0x4a: {  	[sflag:s7] =	ssyncset.done $0x0  }
0x4b: {  	[sflag:s7] =	ssyncadd.s32 $0xFFFF3800  }
0x4c: {  	_ =	swait.ge [sflag:s7], $0xC800  }
0x4d: {  	[sflag:s7] =	ssyncset.done $0x0  }
0x4e: {  	[sflag:s7] =	ssyncadd.s32 $0xFFFF3800  }
0x4f: {  	_ =	swait.ge [sflag:s7], $0xC800  }
0x50: {  	[sflag:s7] =	ssyncset.done $0x0  }
0x51: {  	[sflag:s7] =	ssyncadd.s32 $0xFFFF3800  }
0x52: {  	_ =	swait.ge [sflag:s7], $0xC800  }
0x53: {  	[sflag:s7] =	ssyncset.done $0x0  }
0x54: {  	[sflag:s7] =	ssyncadd.s32 $0xFFFF3800  }
0x55: {  	_ =	swait.ge [sflag:s7], $0xC800  }
0x56: {  	[sflag:s7] =	ssyncset.done $0x0  }
0x57: {  	[sflag:s7] =	ssyncadd.s32 $0xFFFF3800  }
0x58: {  	_ =	swait.ge [sflag:s7], $0xC800  }
0x59: {  	[sflag:s7] =	ssyncset.done $0x0  }
0x5a: {  	[sflag:s7] =	ssyncadd.s32 $0xFFFF3800  }
0x5b: {  	_ =	swait.ge [sflag:s7], $0xC800  }
0x5c: {  	[sflag:s7] =	ssyncset.done $0x0  }
0x5d: {  	[sflag:s7] =	ssyncadd.s32 $0xFFFF3800  }
0x5e: {  	_ =	swait.ge [sflag:s7], $0xC800  }
0x5f: {  	[sflag:s7] =	ssyncset.done $0x0  }
0x60: {  	[sflag:s7] =	ssyncadd.s32 $0xFFFF3800  }
0x61: {  	_ =	swait.ge [sflag:s7], $0xC800  }
0x62: {  	[sflag:s7] =	ssyncset.done $0x0  }
0x63: {  	[sflag:s7] =	ssyncadd.s32 $0xFFFF3800  }
0x64: {  	_ =	swait.ge [sflag:s7], $0xC800  }
0x65: {  	[sflag:s7] =	ssyncset.done $0x0  }
0x66: {  	[sflag:s7] =	ssyncadd.s32 $0xFFFF3800  }
0x67: {  	_ =	swait.ge [sflag:s7], $0xC800  }
0x68: {  	[sflag:s7] =	ssyncset.done $0x0  }
0x69: {  	[sflag:s7] =	ssyncadd.s32 $0xFFFF3800  }
0x6a: {  	_ =	swait.ge [sflag:s7], $0xC800  }
0x6b: {  	[sflag:s7] =	ssyncset.done $0x0  }
0x6c: {  	s8 =	sadd.s32 $0x1, s8;
	[sflag:s7] =	ssyncadd.s32 $0xFFFF3800  }
0x6d: {  	p0 =	sne.s32 s8, s4;
	_ =	swait.ge [sflag:s7], $0xC800  }
.Ltmp1:
0x6e: {  	[sflag:s7] =	ssyncset.done $0x0;
	(pc) =	sbr.rel @p0 .LBB2_1-.Ltmp1, $4  }
0x6f: {  	[sflag:s7] =	ssyncadd.s32 $0xFFFF3800  }
0x70: {  	_ =	swait.ge [sflag:s7], $0xC800  }
0x71: {  	[sflag:s7] =	ssyncset.done $0x0  }
0x72: {  	[sflag:s7] =	ssyncadd.s32 $0xFFFF3800  }
0x73: {  	_ =	sfence.sel $0x180000  }
0x74: {  	[bflag:$0x0] =	sbarrier.arrive $0xFFFF  }
0x75: {  	p0 =	sne.s32 s1, $0x0;
	_ =	strace $0x90000047  }
0x76: {  	s0 =	sadd.s32 @!p0 $0x100000, s0;
	[bflag:$0x2] =	sbarrier.arrive $0xFFFF  }
0x77: {  	[sflag:s0] =	ssyncadd.tile.s32 @!p0 $0x1;
	_ =	shalt  }
.Lfunc_end2:
_tile_overlayer_lowered:
.L_overlay_start_2:
0x78: {  	(tag) =	ssettag $0x2  }
0x79: {  	s0 =	rddreg [dreg:$0x0];
	s2 =	stileid.u32  }
0x7a: {  	s1 =	rddreg [dreg:$0x1];
	p0 =	sne.s32 s2, $0x0  }
0x7b: {  	s3 =	rddreg [dreg:$0x2];
	[bflag:$0x3] =	sbarrier.arrive $0xFFFF;
	s2 =	simm.s32 @!p0 $0x1C02  }
0x7c: {  	[timem:s3], [sflag:s2] =	dma.local @!p0 [hbm:s0], s1  }
0x7d: {  	s0 =	simm.s32 @!p0 $0x2  }
0x7e: {  	_ =	swait.ge @!p0 [sflag:s0], s1  }
0x7f: {  	s1 =	ssub.s32 @!p0 $0x0, s1;
	[sflag:s0] =	ssyncset.done @!p0 $0x0  }
0x80: {  	[sflag:s0] =	ssyncadd.s32 @!p0 s1  }
0x81: {  	[bflag:$0x3] =	sbarrier.arrive $0xFFFF  }
0x82: {  	_ =	shalt  }

</sc_bundles>
